<compile_context>
chip_gen: v7x
topology: tpu7x:2x2x1
jax: 0.10.2.dev20260603
libtpu: 0.0.44.dev20260713+nightly
codegen_flags: <defaults>
</compile_context>

<pallas_src>
import functools
import jax
import jax.numpy as jnp
from jax import lax
from jax.experimental import pallas as pl
from jax.experimental.pallas import tpu as pltpu
from jax.experimental.pallas import tpu_sc as plsc

N = 10000
E = 320000
B = 64
H = 128
NP = 10240
NW = 32
EP = 327680
EPW = EP // NW



def _spmv_body(src_hbm, dst_hbm, u_hbm, out_hbm, src_v, dst_v, ubuf, accum):
    c = lax.axis_index("c")
    s = lax.axis_index("s")
    wid = s * 2 + c
    base = wid * EPW
    pltpu.sync_copy(src_hbm.at[pl.ds(base, EPW)], src_v)
    pltpu.sync_copy(dst_hbm.at[pl.ds(base, EPW)], dst_v)
    pltpu.sync_copy(u_hbm, ubuf)
    zero16 = jnp.zeros((16,), jnp.float32)

    def zbody(i, carry):
        accum[pl.ds(i * 16, 16)] = zero16
        return carry

    lax.fori_loop(0, NP // 16, zbody, 0)

    def ebody(i, carry):
        sidx = src_v[pl.ds(i * 16, 16)]
        didx = dst_v[pl.ds(i * 16, 16)]
        vals = plsc.load_gather(ubuf, [sidx])
        plsc.addupdate_scatter(accum, [didx], vals)
        return carry

    lax.fori_loop(0, EPW // 16, ebody, 0)
    pltpu.sync_copy(accum, out_hbm.at[wid])


@jax.jit
def _spmv(src_pad, dst_pad, u_pad):
    f = pl.kernel(
        _spmv_body,
        out_type=jax.ShapeDtypeStruct((NW, NP), jnp.float32),
        mesh=plsc.VectorSubcoreMesh(core_axis_name="c", subcore_axis_name="s"),
        compiler_params=pltpu.CompilerParams(needs_layout_passes=False),
        scratch_types=[
            pltpu.VMEM((EPW,), jnp.int32),
            pltpu.VMEM((EPW,), jnp.int32),
            pltpu.VMEM((NP,), jnp.float32),
            pltpu.VMEM((NP,), jnp.float32),
        ],
    )
    return f(src_pad, dst_pad, u_pad)


INTMIN = -2147483648
ID_INIT = 0x7FFFC000


def _sortable_f32(x):
    u = jax.lax.bitcast_convert_type(x, jnp.int32)
    v = jnp.where(u < 0, ~u, u | jnp.int32(INTMIN))
    return v ^ jnp.int32(INTMIN)



NCH = EPW // 128
ROWS_PER_SUB = NP // 16


NR = 5120
SPLIT = 5120
RPS = NR // 16
ZCH = 64


def _spmm_body(src_hbm, dst_hbm, sel_hbm, p_hbm, out_hbm,
               src_v, dst_v, selbuf, srcKL, dstKL, srcKH, dstKH, rowbuf,
               accum, gsem, ssem):
    c = lax.axis_index("c")
    s = lax.axis_index("s")
    wid = s * 2 + c
    base = wid * EPW
    pltpu.sync_copy(src_hbm.at[pl.ds(base, EPW)], src_v)
    pltpu.sync_copy(dst_hbm.at[pl.ds(base, EPW)], dst_v)
    pltpu.sync_copy(sel_hbm, selbuf)

    zero16 = jnp.zeros((16,), jnp.float32)

    def zrow(i, carry):
        rowbuf[i // 8, pl.ds((i % 8) * 16, 16)] = zero16
        return carry

    lax.fori_loop(0, (128 * H) // 16, zrow, 0)

    src_trash = jnp.full((16,), N, jnp.int32)
    dst_trash = jnp.zeros((16,), jnp.int32)

    def pfill(i, carry):
        srcKL[i // 8, pl.ds((i % 8) * 16, 16)] = src_trash
        dstKL[i // 8, pl.ds((i % 8) * 16, 16)] = dst_trash
        srcKH[i // 8, pl.ds((i % 8) * 16, 16)] = src_trash
        dstKH[i // 8, pl.ds((i % 8) * 16, 16)] = dst_trash
        return carry

    lax.fori_loop(0, EPW // 16, pfill, 0)

    def compact(i, carry):
        cntL, cntH = carry
        sidx = src_v[pl.ds(i * 16, 16)]
        didx = dst_v[pl.ds(i * 16, 16)]
        ks = plsc.load_gather(selbuf, [sidx])
        kd = plsc.load_gather(selbuf, [didx])
        keep = (ks * kd) > 0.5
        low = didx < SPLIT
        keepL = keep & low
        keepH = keep & (~low)
        kiL = keepL.astype(jnp.int32)
        kiH = keepH.astype(jnp.int32)
        posL = cntL + jax.lax.cumsum(kiL, axis=0) - kiL
        posH = cntH + jax.lax.cumsum(kiH, axis=0) - kiH
        plsc.store_scatter(srcKL, [jax.lax.shift_right_logical(posL, 7), posL & 127],
                           sidx, mask=keepL)
        plsc.store_scatter(dstKL, [jax.lax.shift_right_logical(posL, 7), posL & 127],
                           didx, mask=keepL)
        plsc.store_scatter(srcKH, [jax.lax.shift_right_logical(posH, 7), posH & 127],
                           sidx, mask=keepH)
        plsc.store_scatter(dstKH, [jax.lax.shift_right_logical(posH, 7), posH & 127],
                           didx - SPLIT, mask=keepH)
        return (cntL + jnp.sum(kiL), cntH + jnp.sum(kiH))

    cntL, cntH = lax.fori_loop(0, EPW // 16, compact, (jnp.int32(0), jnp.int32(0)))

    for half, (srcK, dstK, cnt) in enumerate(((srcKL, dstKL, cntL), (srcKH, dstKH, cntH))):
        for r in range(RPS // ZCH):
            pltpu.sync_copy(rowbuf.at[pl.ds(0, ZCH)],
                            accum.at[pl.ds(s * RPS + r * ZCH, ZCH)])
        plsc.subcore_barrier()

        def chunk(j, carry, srcK=srcK, dstK=dstK):
            pltpu.async_copy(p_hbm.at[srcK.at[j]], rowbuf, gsem).wait()
            pltpu.async_copy(rowbuf, accum.at[dstK.at[j]], ssem, add=True).wait()
            return carry

        lax.fori_loop(0, (cnt + 127) // 128, chunk, 0)
        plsc.subcore_barrier()
        pltpu.sync_copy(accum.at[pl.ds(s * RPS, RPS)],
                        out_hbm.at[half, c, pl.ds(s * RPS, RPS)])
        if half == 0:
            lax.fori_loop(0, (128 * H) // 16, zrow, 0)
            plsc.subcore_barrier()


@jax.jit
def _spmm(src_pad, dst_pad, sel_pad, p_pad):
    f = pl.kernel(
        _spmm_body,
        out_type=jax.ShapeDtypeStruct((2, 2, NR, H), jnp.float32),
        mesh=plsc.VectorSubcoreMesh(core_axis_name="c", subcore_axis_name="s"),
        compiler_params=pltpu.CompilerParams(needs_layout_passes=False),
        scratch_types=[
            pltpu.VMEM((EPW,), jnp.int32),
            pltpu.VMEM((EPW,), jnp.int32),
            pltpu.VMEM((NP,), jnp.float32),
            pltpu.VMEM((NCH, 128), jnp.int32),
            pltpu.VMEM((NCH, 128), jnp.int32),
            pltpu.VMEM((NCH, 128), jnp.int32),
            pltpu.VMEM((NCH, 128), jnp.int32),
            pltpu.VMEM((128, H), jnp.float32),
            pltpu.VMEM_SHARED((NR, H), jnp.float32),
            pltpu.SemaphoreType.DMA,
            pltpu.SemaphoreType.DMA,
        ],
    )
    return f(src_pad, dst_pad, sel_pad, p_pad)



def _radix_body(stage2, bitss, inits, batch_ref, *args):
    limb_refs = args[:len(bitss)]
    out_ref = args[len(bitss)]
    batchv = batch_ref[...]
    gid = jax.lax.broadcasted_iota(jnp.int32, (B, 1), 0)
    own = gid == batchv
    counts = jnp.sum(own.astype(jnp.float32), axis=1, keepdims=True)
    kk = jnp.ceil(0.25 * counts)
    if stage2:
        kk = jnp.ceil(0.25 * kk)
    gt = jnp.zeros((B, NP), jnp.bool_)
    eq = own
    for l, (bits, init) in enumerate(zip(bitss, inits)):
        limb = limb_refs[l][...]
        cntgt = jnp.sum(gt.astype(jnp.float32), axis=1, keepdims=True)

        def round_fn(i, prefix, limb=limb, eq=eq, cntgt=cntgt, bits=bits):
            shift = jax.lax.shift_left(jnp.int32(1), jnp.int32(bits - 1) - i)
            cand = prefix + shift
            m = eq & (limb >= cand)
            cnt = cntgt + jnp.sum(m.astype(jnp.float32), axis=1, keepdims=True)
            return jnp.where(cnt >= kk, cand, prefix)

        prefix0 = jnp.full((B, 1), init, jnp.int32)
        prefix = jax.lax.fori_loop(0, bits, round_fn, prefix0)
        gt = gt | (eq & (limb > prefix))
        eq = eq & (limb == prefix)
    sel = gt | eq
    out_ref[...] = jnp.sum(sel.astype(jnp.float32), axis=0, keepdims=True)


def _topk_mask(limbs, batch_pad, stage2):
    bitss = [32] * (len(limbs) - 1) + [14]
    inits = [INTMIN] * (len(limbs) - 1) + [ID_INIT]
    limbs2d = [jnp.pad(l, (0, NP - N)).reshape(1, NP) for l in limbs]
    out = pl.pallas_call(
        functools.partial(_radix_body, stage2, bitss, inits),
        out_shape=jax.ShapeDtypeStruct((1, NP), jnp.float32),
    )(batch_pad.reshape(1, NP), *limbs2d)
    return out[0, :N] > 0.5



def _lin1_body(a1_ref, dinv0_ref, w1_ref, b1_ref, ws1_ref, h_ref, v_ref):
    h = jnp.maximum(a1_ref[...] * w1_ref[...] + b1_ref[...], 0.0)
    h_ref[...] = h
    s = jnp.dot(h, ws1_ref[...], preferred_element_type=jnp.float32)
    v_ref[...] = dinv0_ref[...] * s


def _lin1(a1_col, dinv0_col, W1, b1, Ws1):
    return pl.pallas_call(
        _lin1_body,
        out_shape=(jax.ShapeDtypeStruct((NP, H), jnp.float32),
                   jax.ShapeDtypeStruct((NP, 1), jnp.float32)),
    )(a1_col, dinv0_col, W1[0].reshape(1, H), b1.reshape(1, H), Ws1)


def _lin2_body(msum_ref, hp_ref, dinv2_ref, selc_ref, w2_ref, b2_ref, ws2_ref,
               h2_ref, v2_ref):
    dinv2 = dinv2_ref[...]
    m_total = dinv2 * msum_ref[...] + (dinv2 * dinv2) * hp_ref[...]
    h2 = selc_ref[...] * jnp.maximum(
        jnp.dot(m_total, w2_ref[...], preferred_element_type=jnp.float32) + b2_ref[...], 0.0)
    h2_ref[...] = h2
    s2 = jnp.dot(h2, ws2_ref[...], preferred_element_type=jnp.float32)
    v2_ref[...] = dinv2 * s2


def _lin2(msum_pad, hp, dinv2_col, sel_col, W2, b2, Ws2):
    return pl.pallas_call(
        _lin2_body,
        out_shape=(jax.ShapeDtypeStruct((NP, H), jnp.float32),
                   jax.ShapeDtypeStruct((NP, 1), jnp.float32)),
    )(msum_pad, hp, dinv2_col, sel_col, W2, b2.reshape(1, H), Ws2)



def _pool_core(batch_col, hval, selb):
    gid_row = jax.lax.broadcasted_iota(jnp.int32, (1, B), 1)
    ind = (batch_col == gid_row).astype(jnp.float32)
    sums = jax.lax.dot_general(ind, hval, (((0,), (0,)), ((), ())),
                               preferred_element_type=jnp.float32)
    ones_col = jnp.ones((NP, 1), jnp.float32)
    counts = jax.lax.dot_general(ind, ones_col, (((0,), (0,)), ((), ())),
                                 preferred_element_type=jnp.float32)
    neginf = jnp.float32(-jnp.inf)
    hmask = jnp.where(selb, hval, neginf)
    return ind, sums, counts, hmask


def _seg_max(batch_col, hmask):
    grow = jax.lax.broadcasted_iota(jnp.int32, (B, 1), 0)

    def gmax(g, macc):
        own = batch_col == g
        m = jnp.max(jnp.where(own, hmask, jnp.float32(-jnp.inf)), axis=0, keepdims=True)
        return jnp.where(grow == g, m, macc)

    return lax.fori_loop(0, B, gmax, jnp.zeros((B, H), jnp.float32))


def _pool1_body(batch_ref, selc_ref, hp_ref, x1_ref):
    selb = selc_ref[...] > 0.5
    hp = hp_ref[...]
    ind, sums, counts, hmask = _pool_core(batch_ref[...], hp, selb)
    k1 = jnp.ceil(0.25 * counts)
    x1_ref[:, H:] = sums / k1
    batch_col = batch_ref[...]
    x1_ref[:, :H] = _seg_max(batch_col, hmask)


def _pool1(batch_col, sel_col, hp):
    return pl.pallas_call(
        _pool1_body,
        out_shape=jax.ShapeDtypeStruct((B, 2 * H), jnp.float32),
    )(batch_col, sel_col, hp)


def _pool2_head_body(batch_ref, selc_ref, hf_ref, x1_ref, gin_ref,
                     l1w_ref, l1b_ref, l2w_ref, l2b_ref, l3w_ref, l3b_ref, out_ref):
    selb = selc_ref[...] > 0.5
    hf = hf_ref[...]
    batch_col = batch_ref[...]
    ind, sums, counts, hmask = _pool_core(batch_col, hf, selb)
    k2 = jnp.ceil(0.25 * jnp.ceil(0.25 * counts))
    x2_sum = sums / k2
    x2_max = _seg_max(batch_col, hmask)
    x1 = x1_ref[...]
    xg = jnp.concatenate([x1[:, :H] + x2_max, x1[:, H:] + x2_sum, gin_ref[...]], axis=1)
    a = jnp.maximum(jnp.dot(xg, l1w_ref[...], preferred_element_type=jnp.float32)
                    + l1b_ref[...], 0.0)
    a = jnp.maximum(jnp.dot(a, l2w_ref[...], preferred_element_type=jnp.float32)
                    + l2b_ref[...], 0.0)
    z = jnp.dot(a, l3w_ref[...], preferred_element_type=jnp.float32) + l3b_ref[...]
    zmax = jnp.max(z, axis=1, keepdims=True)
    ez = jnp.exp(z - zmax)
    lse = jnp.log(jnp.sum(ez, axis=1, keepdims=True)) + zmax
    out_ref[...] = z - lse


def _pool2_head(batch_col, sel2_col, hfin, x1, ginfo, L1w, L1b, L2w, L2b, L3w, L3b):
    FP = 384
    gin_pad = jnp.pad(ginfo, ((0, 0), (0, 128 - ginfo.shape[1])))
    l1wp = jnp.pad(L1w, ((0, FP - L1w.shape[0]), (0, 0)))
    return pl.pallas_call(
        _pool2_head_body,
        out_shape=jax.ShapeDtypeStruct((B, 32), jnp.float32),
    )(batch_col, sel2_col, hfin, x1, gin_pad, l1wp, L1b.reshape(1, H),
      L2w, L2b.reshape(1, H // 2), L3w, L3b.reshape(1, 32))


def kernel(x, edge_index, batch, ginfo, W1, b1, Ws1, bs1, W2, b2, Ws2, bs2,
           L1w, L1b, L2w, L2b, L3w, L3b):
    src, dst = edge_index[0], edge_index[1]
    padE = jnp.full((EP - E,), N, jnp.int32)
    src_pad = jnp.concatenate([src, padE])
    dst_pad = jnp.concatenate([dst, padE])

    def padn(a):
        return jnp.pad(a, (0, NP - N))

    x0 = x[:, 0]
    indeg = jnp.sum(_spmv(src_pad, dst_pad, padn(jnp.ones((N,), jnp.float32))), axis=0)[:N]
    dinv0 = (indeg + 1.0) ** -0.5
    t = jnp.sum(_spmv(src_pad, dst_pad, padn(dinv0 * x0)), axis=0)[:N]
    a1 = dinv0 * (t + dinv0 * x0)
    h, v_col = _lin1(padn(a1).reshape(NP, 1), padn(dinv0).reshape(NP, 1), W1, b1, Ws1)
    v = v_col[:N, 0]
    tv = jnp.sum(_spmv(src_pad, dst_pad, v_col[:, 0]), axis=0)[:N]
    score1 = dinv0 * (tv + v) + bs1[0]

    nid = jnp.arange(N, dtype=jnp.int32)
    batch_pad = jnp.pad(batch, (0, NP - N), constant_values=B)
    batch_col = batch_pad.reshape(NP, 1)
    key_s1 = _sortable_f32(score1)
    key_id = (~nid) ^ jnp.int32(INTMIN)
    sel1 = _topk_mask([key_s1, key_id], batch_pad, False)
    sel1f = sel1.astype(jnp.float32)
    sel_pad = padn(sel1f)
    sel_col = sel_pad.reshape(NP, 1)

    hp = padn(sel1f * jnp.tanh(score1)).reshape(NP, 1) * h
    x1 = _pool1(batch_col, sel_col, hp)

    w = jnp.sum(_spmv(src_pad, dst_pad, sel_pad), axis=0)[:N]
    dinv2 = (1.0 + sel1f * w) ** -0.5
    dinv2_col = padn(dinv2).reshape(NP, 1)
    p_pad = dinv2_col * hp
    mparts = _spmm(src_pad, dst_pad, sel_pad, p_pad)
    msum_pad = jnp.pad(
        jnp.concatenate([jnp.sum(mparts[0], axis=0)[:SPLIT],
                         jnp.sum(mparts[1], axis=0)[:N - SPLIT]], axis=0),
        ((0, NP - N), (0, 0)))
    h2p, v2_col = _lin2(msum_pad, hp, dinv2_col, sel_col, W2, b2, Ws2)
    v2 = v2_col[:N, 0]
    tv2 = jnp.sum(_spmv(src_pad, dst_pad, v2_col[:, 0]), axis=0)[:N]
    score2 = dinv2 * tv2 + dinv2 * v2 + bs2[0]

    key_s2 = _sortable_f32(score2)
    imin = jnp.int32(INTMIN)
    sel2 = _topk_mask([jnp.where(sel1, key_s2, imin), jnp.where(sel1, key_s1, imin),
                       jnp.where(sel1, key_id, imin)], batch_pad, True)
    sel2f = sel2.astype(jnp.float32)
    sel2_col = padn(sel2f).reshape(NP, 1)

    hfin = padn(sel2f * jnp.tanh(score2)).reshape(NP, 1) * h2p
    return _pool2_head(batch_col, sel2_col, hfin, x1, ginfo, L1w, L1b, L2w, L2b, L3w, L3b)

# --- scband reference (transcript-rebuilt; emitter-appended) ---
"""Pipeline reference for scband-net-58789512348294 (READ-ONLY COPY).

The authoritative reference and input builder live on the scoring server;
editing this copy changes nothing except your own understanding.
"""

import jax, jax.numpy as jnp
import numpy as np

N_NODES = 10000
N_EDGES = 320000
N_GRAPHS = 64
NHID = 128
RATIO = 0.25


def setup_inputs(seed: int = 0):
    key = jax.random.key(seed)
    ks = jax.random.split(key, 16)
    x = jax.random.normal(ks[0], (N_NODES, 1), dtype=jnp.float32)
    edge_index = jax.random.randint(ks[1], (2, N_EDGES), 0, N_NODES, dtype=jnp.int32)
    batch = jnp.sort(jax.random.randint(ks[2], (N_NODES,), 0, N_GRAPHS, dtype=jnp.int32))
    ginfo = jax.random.normal(ks[3], (N_GRAPHS, 10), dtype=jnp.float32)
    def lin(k, fi, fo):
        s = 1.0 / np.sqrt(fi)
        return jax.random.uniform(k, (fi, fo), jnp.float32, -s, s)
    W1 = lin(ks[4], 1, NHID); b1 = jnp.zeros((NHID,), jnp.float32)
    Ws1 = lin(ks[5], NHID, 1); bs1 = jnp.zeros((1,), jnp.float32)
    W2 = lin(ks[6], NHID, NHID); b2 = jnp.zeros((NHID,), jnp.float32)
    Ws2 = lin(ks[7], NHID, 1); bs2 = jnp.zeros((1,), jnp.float32)
    L1w = lin(ks[8], 2 * NHID + 10, NHID); L1b = jnp.zeros((NHID,), jnp.float32)
    L2w = lin(ks[9], NHID, NHID // 2); L2b = jnp.zeros((NHID // 2,), jnp.float32)
    L3w = lin(ks[10], NHID // 2, 32); L3b = jnp.zeros((32,), jnp.float32)
    return {"x": x, "edge_index": edge_index, "batch": batch, "ginfo": ginfo,
            "W1": W1, "b1": b1, "Ws1": Ws1, "bs1": bs1,
            "W2": W2, "b2": b2, "Ws2": Ws2, "bs2": bs2,
            "L1w": L1w, "L1b": L1b, "L2w": L2w, "L2b": L2b,
            "L3w": L3w, "L3b": L3b}


def _gcn(x, src, dst, ew, W, b, n):
    xw = x @ W
    loops = jnp.arange(n, dtype=src.dtype)
    src_f = jnp.concatenate([src, loops])
    dst_f = jnp.concatenate([dst, loops])
    ew_f = jnp.concatenate([ew, jnp.ones((n,), x.dtype)])
    deg = jax.ops.segment_sum(ew_f, dst_f, num_segments=n)
    dinv = jnp.where(deg > 0, deg ** -0.5, 0.0)
    coef = dinv[src_f] * ew_f * dinv[dst_f]
    return jax.ops.segment_sum(xw[src_f] * coef[:, None], dst_f, num_segments=n) + b


def _topk_select(score, B, N, gid_rows, pos_rows, k, kcum, kstart, node_base):
    dense = jnp.full((B, N), -jnp.inf, score.dtype).at[gid_rows, pos_rows].set(score)
    order = jnp.argsort(-dense, axis=1)
    idx = jnp.arange(N, dtype=jnp.int32)
    n_sel = kcum[-1]
    valid = idx < n_sel
    selg = jnp.searchsorted(kcum, idx, side='right').astype(jnp.int32)
    gsafe = jnp.where(valid, selg, 0)
    selj = jnp.where(valid, idx - kstart[gsafe], 0)
    cols = order[gsafe, selj]
    perm = jnp.where(valid, node_base[gsafe] + cols, 0)
    return perm, valid, gsafe


def _filter(src, dst, ew, perm, valid, n_old):
    pidx = jnp.where(valid, perm, n_old)
    keep = jnp.zeros((n_old,), jnp.float32).at[pidx].set(1.0)
    mapping = jnp.zeros((n_old,), src.dtype).at[pidx].set(jnp.arange(n_old, dtype=src.dtype))
    return mapping[src], mapping[dst], ew * keep[src] * keep[dst]


def _forward(x, edge_index, batch, ginfo, W1, b1, Ws1, bs1, W2, b2, Ws2, bs2, L1w, L1b, L2w, L2b, L3w, L3b):
    N = x.shape[0]
    B = ginfo.shape[0]
    src, dst = edge_index[0], edge_index[1]
    counts0 = jax.ops.segment_sum(jnp.ones((N,), jnp.int32), batch, num_segments=B)
    ew = jnp.ones((src.shape[0],), jnp.float32)
    h = jax.nn.relu(_gcn(x, src, dst, ew, W1, b1, N))
    score1 = _gcn(h, src, dst, ew, Ws1, bs1, N)[:, 0]
    starts0 = jnp.cumsum(counts0) - counts0
    k1 = jnp.ceil(RATIO * counts0.astype(jnp.float32)).astype(jnp.int32)
    kcum1 = jnp.cumsum(k1)
    kstart1 = kcum1 - k1
    pos0 = jnp.arange(N, dtype=jnp.int32) - starts0[batch]
    perm1, valid1, g1 = _topk_select(score1, B, N, batch, pos0, k1, kcum1, kstart1, starts0)
    h = jnp.where(valid1[:, None], h[perm1] * jnp.tanh(score1[perm1])[:, None], 0.0)
    src, dst, ew = _filter(src, dst, ew, perm1, valid1, N)
    seg1 = jnp.where(valid1, g1, B)
    cnt1 = k1.astype(jnp.float32)
    x1 = jnp.concatenate([jax.ops.segment_max(h, seg1, num_segments=B + 1)[:B],
                          jax.ops.segment_sum(h, seg1, num_segments=B + 1)[:B] / cnt1[:, None]], axis=1)
    h = jax.nn.relu(_gcn(h, src, dst, ew, W2, b2, N))
    h = jnp.where(valid1[:, None], h, 0.0)
    score2 = _gcn(h, src, dst, ew, Ws2, bs2, N)[:, 0]
    k2 = jnp.ceil(RATIO * k1.astype(jnp.float32)).astype(jnp.int32)
    kcum2 = jnp.cumsum(k2)
    kstart2 = kcum2 - k2
    rows1 = jnp.where(valid1, g1, B)
    pos1 = jnp.where(valid1, jnp.arange(N, dtype=jnp.int32) - kstart1[jnp.where(valid1, g1, 0)], 0)
    perm2, valid2, g2 = _topk_select(score2, B, N, rows1, pos1, k2, kcum2, kstart2, kstart1)
    h = jnp.where(valid2[:, None], h[perm2] * jnp.tanh(score2[perm2])[:, None], 0.0)
    seg2 = jnp.where(valid2, g2, B)
    cnt2 = k2.astype(jnp.float32)
    x2 = jnp.concatenate([jax.ops.segment_max(h, seg2, num_segments=B + 1)[:B],
                          jax.ops.segment_sum(h, seg2, num_segments=B + 1)[:B] / cnt2[:, None]], axis=1)
    xg = x1 + x2
    xg = jnp.concatenate([xg, ginfo.reshape(B, -1)], axis=1)
    xg = jax.nn.relu(xg @ L1w + L1b)
    xg = jax.nn.relu(xg @ L2w + L2b)
    return jax.nn.log_softmax(xg @ L3w + L3b, axis=-1)


def reference(x, edge_index, batch, ginfo, W1, b1, Ws1, bs1, W2, b2, Ws2, bs2, L1w, L1b, L2w, L2b, L3w, L3b):
    return _forward(x, edge_index, batch, ginfo, W1, b1, Ws1, bs1, W2, b2, Ws2, bs2, L1w, L1b, L2w, L2b, L3w, L3b)

if __name__ == "__main__":
    import jax
    _d = setup_inputs()
    print(jax.jit(kernel)(*tuple(_d.values())))

</pallas_src>

<mosaic_0001>
#map = affine_map<(d0, d1) -> (0)>
#map1 = affine_map<(d0, d1) -> (0, 0)>
module attributes {stable_mosaic.version = 14 : i64} {
  func.func @_spmv_body(%arg0: i32, %arg1: i32, %arg2: memref<327680xi32, #tpu.memory_space<hbm>>, %arg3: memref<327680xi32, #tpu.memory_space<hbm>>, %arg4: memref<10240xf32, #tpu.memory_space<hbm>>, %arg5: memref<32x10240xf32, #tpu.memory_space<hbm>>, %arg6: memref<10240xi32, #tpu.memory_space<vmem>>, %arg7: memref<10240xi32, #tpu.memory_space<vmem>>, %arg8: memref<10240xf32, #tpu.memory_space<vmem>>, %arg9: memref<10240xf32, #tpu.memory_space<vmem>>) attributes {dimension_semantics = [#tpu.dimension_semantics<core_parallel>, #tpu.dimension_semantics<subcore_parallel>], iteration_bounds = array<i64: 2, 16>, scalar_prefetch = 0 : i64, scratch_operands = 4 : i64, tpu.core_type = #tpu.core_type<sc_vector_subcore>, window_params = [{transform_indices = #map}, {transform_indices = #map}, {transform_indices = #map}, {transform_indices = #map1}]} {
    %mul3A = arith.constant 2 : i32
    %mul3A_0 = arith.muli %arg1, %mul3A : i32
    %add3A = arith.addi %mul3A_0, %arg0 : i32
    %mul3A_1 = arith.constant 10240 : i32
    %mul3A_2 = arith.muli %add3A, %mul3A_1 : i32
    "tpu.region"() ({
      %run_scoped3A = tpu.sem_alloc : memref<!tpu.dma_semaphore, #tpu.memory_space<semaphore_mem>>
      %dma_start3A = tpu.memref_slice %arg2[%mul3A_2] : memref<327680xi32, #tpu.memory_space<hbm>> -> memref<10240xi32, #tpu.memory_space<hbm>>
      %dma_start3A_15 = tpu.memref_slice %arg2[%mul3A_2] : memref<327680xi32, #tpu.memory_space<hbm>> -> memref<10240xi32, #tpu.memory_space<hbm>>
      tpu.enqueue_dma source(%dma_start3A_15 : memref<10240xi32, #tpu.memory_space<hbm>>) target(%arg6 : memref<10240xi32, #tpu.memory_space<vmem>>) target_semaphore(%run_scoped3A : memref<!tpu.dma_semaphore, #tpu.memory_space<semaphore_mem>>)
      %dma_wait3A = tpu.memref_slice %arg2[%mul3A_2] : memref<327680xi32, #tpu.memory_space<hbm>> -> memref<10240xi32, #tpu.memory_space<hbm>>
      %dma_wait3A_16 = tpu.memref_slice %arg2[%mul3A_2] : memref<327680xi32, #tpu.memory_space<hbm>> -> memref<10240xi32, #tpu.memory_space<hbm>>
      tpu.wait_dma2 semaphore(%run_scoped3A : memref<!tpu.dma_semaphore, #tpu.memory_space<semaphore_mem>>) src(%dma_wait3A_16 : memref<10240xi32, #tpu.memory_space<hbm>>) dst(%arg6 : memref<10240xi32, #tpu.memory_space<vmem>>)
      tpu.yield
    }) : () -> ()
    "tpu.region"() ({
      %run_scoped3A = tpu.sem_alloc : memref<!tpu.dma_semaphore, #tpu.memory_space<semaphore_mem>>
      %dma_start3A = tpu.memref_slice %arg3[%mul3A_2] : memref<327680xi32, #tpu.memory_space<hbm>> -> memref<10240xi32, #tpu.memory_space<hbm>>
      %dma_start3A_15 = tpu.memref_slice %arg3[%mul3A_2] : memref<327680xi32, #tpu.memory_space<hbm>> -> memref<10240xi32, #tpu.memory_space<hbm>>
      tpu.enqueue_dma source(%dma_start3A_15 : memref<10240xi32, #tpu.memory_space<hbm>>) target(%arg7 : memref<10240xi32, #tpu.memory_space<vmem>>) target_semaphore(%run_scoped3A : memref<!tpu.dma_semaphore, #tpu.memory_space<semaphore_mem>>)
      %dma_wait3A = tpu.memref_slice %arg3[%mul3A_2] : memref<327680xi32, #tpu.memory_space<hbm>> -> memref<10240xi32, #tpu.memory_space<hbm>>
      %dma_wait3A_16 = tpu.memref_slice %arg3[%mul3A_2] : memref<327680xi32, #tpu.memory_space<hbm>> -> memref<10240xi32, #tpu.memory_space<hbm>>
      tpu.wait_dma2 semaphore(%run_scoped3A : memref<!tpu.dma_semaphore, #tpu.memory_space<semaphore_mem>>) src(%dma_wait3A_16 : memref<10240xi32, #tpu.memory_space<hbm>>) dst(%arg7 : memref<10240xi32, #tpu.memory_space<vmem>>)
      tpu.yield
    }) : () -> ()
    "tpu.region"() ({
      %run_scoped3A = tpu.sem_alloc : memref<!tpu.dma_semaphore, #tpu.memory_space<semaphore_mem>>
      tpu.enqueue_dma source(%arg4 : memref<10240xf32, #tpu.memory_space<hbm>>) target(%arg8 : memref<10240xf32, #tpu.memory_space<vmem>>) target_semaphore(%run_scoped3A : memref<!tpu.dma_semaphore, #tpu.memory_space<semaphore_mem>>)
      tpu.wait_dma2 semaphore(%run_scoped3A : memref<!tpu.dma_semaphore, #tpu.memory_space<semaphore_mem>>) src(%arg4 : memref<10240xf32, #tpu.memory_space<hbm>>) dst(%arg8 : memref<10240xf32, #tpu.memory_space<vmem>>)
      tpu.yield
    }) : () -> ()
    %broadcast_in_dim3A = arith.constant 0.000000e+00 : f32
    %broadcast_in_dim3A_3 = vector.broadcast %broadcast_in_dim3A : f32 to vector<16xf32>
    %scan3A = arith.constant 0 : i32
    %scan3A_4 = arith.constant 0 : i32
    %scan3A_5 = arith.constant 640 : i32
    %scan3A_6 = arith.addi %scan3A_4, %scan3A_5 : i32
    %scan3A_7 = arith.constant 1 : i32
    scf.for %scan3A_15 = %scan3A_4 to %scan3A_6 step %scan3A_7  : i32 {
      %mul3A_16 = arith.constant 16 : i32
      %mul3A_17 = arith.muli %scan3A_15, %mul3A_16 : i32
      %swap3A = arith.index_cast %mul3A_17 : i32 to index
      %swap3A_18 = tpu.vector_load %arg9[%swap3A] {strides = array<i32>} : memref<10240xf32, #tpu.memory_space<vmem>>, vector<16xf32>,
      tpu.vector_store %arg9[%swap3A], %broadcast_in_dim3A_3 {strides = array<i32>} : memref<10240xf32, #tpu.memory_space<vmem>>, vector<16xf32>,
    }
    %scan3A_8 = arith.constant 640 : i32
    %scan3A_9 = arith.constant 0 : i32
    %scan3A_10 = arith.constant 0 : i32
    %scan3A_11 = arith.constant 640 : i32
    %scan3A_12 = arith.addi %scan3A_10, %scan3A_11 : i32
    %scan3A_13 = arith.constant 1 : i32
    scf.for %scan3A_15 = %scan3A_10 to %scan3A_12 step %scan3A_13  : i32 {
      %mul3A_16 = arith.constant 16 : i32
      %mul3A_17 = arith.muli %scan3A_15, %mul3A_16 : i32
      %get3A = arith.index_cast %mul3A_17 : i32 to index
      %get3A_18 = tpu.vector_load %arg6[%get3A] {strides = array<i32>} : memref<10240xi32, #tpu.memory_space<vmem>>, vector<16xi32>,
      %mul3A_19 = arith.constant 16 : i32
      %mul3A_20 = arith.muli %scan3A_15, %mul3A_19 : i32
      %get3A_21 = arith.index_cast %mul3A_20 : i32 to index
      %get3A_22 = tpu.vector_load %arg7[%get3A_21] {strides = array<i32>} : memref<10240xi32, #tpu.memory_space<vmem>>, vector<16xi32>,
      %gather3A = tpu.vector_load_idx %arg8[%get3A_18] : memref<10240xf32, #tpu.memory_space<vmem>>[vector<16xi32>], vector<16xf32>,
      tpu.vector_store_idx %arg9[%get3A_22], %gather3A {add = true} : memref<10240xf32, #tpu.memory_space<vmem>>[vector<16xi32>], vector<16xf32>,
    }
    %scan3A_14 = arith.constant 640 : i32
    "tpu.region"() ({
      %run_scoped3A = tpu.sem_alloc : memref<!tpu.dma_semaphore, #tpu.memory_space<semaphore_mem>>
      %dma_start3A = arith.constant 0 : i32
      %dma_start3A_15 = tpu.memref_slice %arg5[%add3A, %dma_start3A] : memref<32x10240xf32, #tpu.memory_space<hbm>> -> memref<1x10240xf32, #tpu.memory_space<hbm>>
      %dma_start3A_16 = tpu.memref_squeeze %dma_start3A_15 : memref<1x10240xf32, #tpu.memory_space<hbm>> -> memref<10240xf32, #tpu.memory_space<hbm>>
      %dma_start3A_17 = arith.constant 0 : i32
      %dma_start3A_18 = tpu.memref_slice %arg5[%add3A, %dma_start3A_17] : memref<32x10240xf32, #tpu.memory_space<hbm>> -> memref<1x10240xf32, #tpu.memory_space<hbm>>
      %dma_start3A_19 = tpu.memref_squeeze %dma_start3A_18 : memref<1x10240xf32, #tpu.memory_space<hbm>> -> memref<10240xf32, #tpu.memory_space<hbm>>
      tpu.enqueue_dma source(%arg9 : memref<10240xf32, #tpu.memory_space<vmem>>) target(%dma_start3A_19 : memref<10240xf32, #tpu.memory_space<hbm>>) target_semaphore(%run_scoped3A : memref<!tpu.dma_semaphore, #tpu.memory_space<semaphore_mem>>)
      %dma_wait3A = arith.constant 0 : i32
      %dma_wait3A_20 = tpu.memref_slice %arg5[%add3A, %dma_wait3A] : memref<32x10240xf32, #tpu.memory_space<hbm>> -> memref<1x10240xf32, #tpu.memory_space<hbm>>
      %dma_wait3A_21 = tpu.memref_squeeze %dma_wait3A_20 : memref<1x10240xf32, #tpu.memory_space<hbm>> -> memref<10240xf32, #tpu.memory_space<hbm>>
      %dma_wait3A_22 = arith.constant 0 : i32
      %dma_wait3A_23 = tpu.memref_slice %arg5[%add3A, %dma_wait3A_22] : memref<32x10240xf32, #tpu.memory_space<hbm>> -> memref<1x10240xf32, #tpu.memory_space<hbm>>
      %dma_wait3A_24 = tpu.memref_squeeze %dma_wait3A_23 : memref<1x10240xf32, #tpu.memory_space<hbm>> -> memref<10240xf32, #tpu.memory_space<hbm>>
      tpu.wait_dma2 semaphore(%run_scoped3A : memref<!tpu.dma_semaphore, #tpu.memory_space<semaphore_mem>>) src(%arg9 : memref<10240xf32, #tpu.memory_space<vmem>>) dst(%dma_wait3A_24 : memref<10240xf32, #tpu.memory_space<hbm>>)
      tpu.yield
    }) : () -> ()
    return
  }
}

</mosaic_0001>

<sc_bundles>
// kernel: _spmv.3.cloned.1.call-start
scs
__scs_entry_jumppad:
0x0: {  	(pc) =	sbr.rel $0x88, $3  }
0x1: {  	(tag) =	ssettag $0x0;
	lr =	simm.s32 $0x1  }
0x2: {  	[smem:$0x3F9E] =	sst lr;
	_ =	strace $0xD0000000  }
0x3: {  	_ = 	snop  }
0x4: {  	_ = 	snop  }
0x5: {  	_ = 	snop  }
0x6: {  	_ = 	snop  }
0x7: {  	_ = 	snop  }
__scs_overlays_trampoline_lowered:
0x8: {  	[smem:$0x3FAD] =	sst s0  }
0x9: {  	[smem:$0x3FAE] =	sst s1  }
0xa: {  	[smem:$0x3FAF] =	sst s2  }
0xb: {  	[smem:$0x3FB0] =	sst s3  }
0xc: {  	[smem:$0x3FB1] =	sst s4  }
0xd: {  	[smem:$0x3FB2] =	sst s5  }
0xe: {  	[smem:$0x3FB3] =	sst s6  }
0xf: {  	[smem:$0x3FB4] =	sst s7  }
0x10: {  	[smem:$0x3FB5] =	sst s8  }
0x11: {  	[smem:$0x3FB6] =	sst s9;
	s0 =	simm.s32 @!p0 $0x0  }
0x12: {  	s1 =	sld [smem:$0x3F9C];
	s0 =	simm.s32 @p0 $0x1  }
0x13: {  	[smem:$0x3FB7] =	sst s0;
	s0 =	simm.s32 @!p1 $0x0  }
0x14: {  	s2 =	sld [smem:$0x3F9B];
	s0 =	simm.s32 @p1 $0x1  }
0x15: {  	[smem:$0x3FB8] =	sst s0;
	s0 =	simm.s32 @!p2 $0x0  }
0x16: {  	s3 =	sld [smem:$0x3FDB];
	s0 =	simm.s32 @p2 $0x1  }
0x17: {  	s4 =	simm.s32 $0x1BF5;
	[smem:$0x3FBA] =	sst s0  }
0x18: {  	s0 =	sld [smem:$0x3F9D];
	_ =	swait.ge [sflag:s4], $0x0  }
0x19: {  	s7 =	sld [smem:$0x3F9E]  }
0x1a: {  	s8 =	sadd.s32 $0xFFFFE003, lr  }
0x1b: {  	s9 =	sadd.s32 $0xFFFFFEF7, lr;
	s5 =	simm.s32 $0xFFFFFFFF;
	p2 =	slt.u32 s8, $0xFFFFF086  }
0x1c: {  	p1 =	slt.u32 s9, $0xF7A;
	s5 =	simm.s32 @!p2 $0x0  }
0x1d: {  	s5 =	simm.s32 @p1 $0x1;
	p0 =	seq.s32 s7, s2  }
0x1e: {  	s7 =	smul.u32 @!p0 $0xF7A, s2;
	p2 =	seq.s32 @!p0 s5, $0x0  }
0x1f: {  	s9 =	smul.u32 $0xF7A, s1;
	s8 =	simm.s32 @!p0 $0x1BF5;
	p2 =	por !p2, p0  }
0x20: {  	[sflag:s8] =	ssyncset.s32 @!p0 $0xFFFFF086;
	s6 =	sadd.s32 @!p0 s3, s7;
	s7 =	simm.s32 @!p0 $0x108  }
0x21: {  	s3 =	sadd.s32 s3, s9;
	s6 =	sadd.s32 @!p0 $0x88, s6;
	s7 =	simm.s32 @p2 $0x1082  }
0x22: {  	[simem:s7], [sflag:s8] =	dma.local @!p0 [hbm:s6], $0xF7A  }
0x23: {  	s9 =	sor.u32 $0xD0000000, s2;
	s6 =	simm.s32 $0x108;
	_ =	swait.ge @!p0 [sflag:s8], $0x0  }
0x24: {  	s3 =	sadd.s32 $0x88, s3;
	s6 =	simm.s32 @!p1 $0x1082;
	[sflag:s4] =	ssyncset.s32 $0xFFFFF086  }
0x25: {  	[simem:s6], [sflag:s4] =	dma.local [hbm:s3], $0xF7A  }
0x26: {  	[smem:$0x3F9E] =	sst s1;
	(tag) =	ssettag s2;
	_ =	strace s9  }
0x27: {  	s1 =	sld [smem:$0x3FAE]  }
0x28: {  	s2 =	sld [smem:$0x3FAF]  }
0x29: {  	s4 =	sld [smem:$0x3FB1]  }
0x2a: {  	p0 =	seq.s32 s5, $0x0;
	s5 =	sld [smem:$0x3FB2]  }
0x2b: {  	s6 =	sld [smem:$0x3FB3]  }
0x2c: {  	s7 =	sld [smem:$0x3FB4]  }
0x2d: {  	s3 =	simm.s32 $0x108;
	s8 =	sld [smem:$0x3FB5]  }
0x2e: {  	s3 =	simm.s32 @!p0 $0x1082;
	s9 =	sld [smem:$0x3FB6]  }
0x2f: {  	lr =	sadd.s32 s0, s3;
	s0 =	sld [smem:$0x3FAD]  }
0x30: {  	s3 =	sld [smem:$0x3FB0]  }
0x31: {  	[smem:$0x3FB9] =	sst s10  }
0x32: {  	s10 =	sld [smem:$0x3FB7];
	_ =	sdelay $0x3  }
0x33: {  	p0 =	seq.s32 s10, $0x1;
	s10 =	sld [smem:$0x3FB9];
	_ =	sdelay $0x3  }
0x34: {  	[smem:$0x3FB9] =	sst s10  }
0x35: {  	s10 =	sld [smem:$0x3FB8];
	_ =	sdelay $0x3  }
0x36: {  	p1 =	seq.s32 s10, $0x1;
	s10 =	sld [smem:$0x3FB9];
	_ =	sdelay $0x3  }
0x37: {  	[smem:$0x3FB9] =	sst s10  }
0x38: {  	s10 =	sld [smem:$0x3FBA]  }
0x39: {  	_ = 	snop;
	(pc) =	sbr.ind lr, $3  }
0x3a: {  	_ = 	snop  }
0x3b: {  	_ = 	snop  }
0x3c: {  	p2 =	seq.s32 s10, $0x1;
	s10 =	sld [smem:$0x3FB9]  }
0x3d: {  	_ =	shalt  }
0x3e: {  	_ =	shalt  }
0x3f: {  	_ =	shalt  }
0x40: {  	_ =	shalt  }
0x41: {  	_ =	shalt  }
0x42: {  	_ =	shalt  }
0x43: {  	_ =	shalt  }
0x44: {  	_ =	shalt  }
0x45: {  	_ =	shalt  }
0x46: {  	_ =	shalt  }
0x47: {  	_ =	shalt  }
0x48: {  	_ =	shalt  }
0x49: {  	_ =	shalt  }
0x4a: {  	_ =	shalt  }
0x4b: {  	_ =	shalt  }
0x4c: {  	_ =	shalt  }
0x4d: {  	_ =	shalt  }
0x4e: {  	_ =	shalt  }
0x4f: {  	_ =	shalt  }
0x50: {  	_ =	shalt  }
0x51: {  	_ =	shalt  }
0x52: {  	_ =	shalt  }
0x53: {  	_ =	shalt  }
0x54: {  	_ =	shalt  }
0x55: {  	_ =	shalt  }
0x56: {  	_ =	shalt  }
0x57: {  	_ =	shalt  }
0x58: {  	_ =	shalt  }
0x59: {  	_ =	shalt  }
0x5a: {  	_ =	shalt  }
0x5b: {  	_ =	shalt  }
0x5c: {  	_ =	shalt  }
0x5d: {  	_ =	shalt  }
0x5e: {  	_ =	shalt  }
0x5f: {  	_ =	shalt  }
0x60: {  	_ =	shalt  }
0x61: {  	_ =	shalt  }
0x62: {  	_ =	shalt  }
0x63: {  	_ =	shalt  }
0x64: {  	_ =	shalt  }
0x65: {  	_ =	shalt  }
0x66: {  	_ =	shalt  }
0x67: {  	_ =	shalt  }
0x68: {  	_ =	shalt  }
0x69: {  	_ =	shalt  }
0x6a: {  	_ =	shalt  }
0x6b: {  	_ =	shalt  }
0x6c: {  	_ =	shalt  }
0x6d: {  	_ =	shalt  }
0x6e: {  	_ =	shalt  }
0x6f: {  	_ =	shalt  }
0x70: {  	_ =	shalt  }
0x71: {  	_ =	shalt  }
0x72: {  	_ =	shalt  }
0x73: {  	_ =	shalt  }
0x74: {  	_ =	shalt  }
0x75: {  	_ =	shalt  }
0x76: {  	_ =	shalt  }
0x77: {  	_ =	shalt  }
0x78: {  	_ =	shalt  }
0x79: {  	_ =	shalt  }
0x7a: {  	_ =	shalt  }
0x7b: {  	_ =	shalt  }
0x7c: {  	_ =	shalt  }
0x7d: {  	_ =	shalt  }
0x7e: {  	_ =	shalt  }
0x7f: {  	_ =	shalt  }
0x80: {  	_ =	shalt  }
0x81: {  	_ =	shalt  }
0x82: {  	_ =	shalt  }
0x83: {  	_ =	shalt  }
0x84: {  	_ =	shalt  }
0x85: {  	_ =	shalt  }
0x86: {  	_ =	shalt  }
0x87: {  	_ =	shalt  }
.Lfunc_end0:
.L_simem_size_0:
called_computation_lowered:
.L_overlay_start_0:
0x88: {  	s2 =	sld [smem:$0x3FD9]  }
0x89: {  	s3 =	sld [smem:$0x3FFE];
	_ =	sdelay $0x1  }
0x8a: {  	s1 =	srdreg.scid  }
0x8b: {  	s0 =	sand.u32 $0x1, s1  }
0x8c: {  	s18 =	sshll.u32 s0, $0xA;
	s2 =	sadd.s32 s3, s2  }
0x8d: {  	s2 =	sadd.s32 s2, s18  }
0x8e: {  	[smem:$0x3FC5] =	sst s2  }
0x8f: {  	_ = 	snop  }
0x90: {  	s2 =	sld [smem:$0x3FC9]  }
0x91: {  	s19 =	sld [smem:$0x3FC8]  }
0x92: {  	s4 =	sld [smem:$0x3FC7]  }
0x93: {  	s5 =	sld [smem:$0x3FD0];
	(tm) =	ssettm $0x1  }
0x94: {  	s6 =	sld [smem:$0x3FFB];
	_ =	sdelay $0x3  }
0x95: {  	_ =	strace s6  }
0x96: {  	s6 =	sld [smem:$0x3FFC];
	_ =	sdelay $0x3  }
0x97: {  	_ =	strace s6  }
0x98: {  	s6 =	sld [smem:$0x3FFD];
	_ =	sdelay $0x3  }
0x99: {  	_ =	strace s6  }
0x9a: {  	_ =	strace $0x8FFFFFFF  }
0x9b: {  	s20 =	sld [smem:$0x3FDB];
	_ =	sdelay $0x1  }
0x9c: {  	s7 =	simm.s32 $_scs_section_size  }
0x9d: {  	s8 =	simm.s32 $_size__tile_overlayer_lowered;
	s9 =	simm.s32 $_tile_overlayer_lowered  }
0x9e: {  	s23 =	simm.s32 $0x1BFF;
	s22 =	sshll.u32 s9, $0x1;
	s6 =	sadd.s32 s7, s20  }
0x9f: {  	s10 =	simm.s32 $0x0;
	s21 =	sshll.u32 s8, $0x1;
	s8 =	sadd.s32 s22, s6  }
0xa0: {  	[timem:s10], [sflag:s23] =	dma.local [hbm:s8], s21  }
0xa1: {  	_ =	swait.ge [sflag:s23], s21  }
0xa2: {  	s7 =	ssub.s32 $0x0, s21;
	[sflag:s23] =	ssyncset.done $0x0  }
0xa3: {  	[sflag:s23] =	ssyncadd.s32 s7;
	_ =	sdelay $0x1  }
0xa4: {  	s24 =	simm.s32 $0x1B8B  }
0xa5: {  	_ =	swait.ge [sflag:s24], $0x1  }
0xa6: {  	[sflag:s24] =	ssyncset.done $0x0  }
0xa7: {  	s25 =	simm.s32 $0x1B8E;
	[sflag:s24] =	ssyncadd.s32 $0xFFFFFFFF  }
0xa8: {  	s26 =	simm.s32 $execute0_lowered;
	[smem:$0x3FD2] =	sst s25  }
0xa9: {  	s7 =	sshll.u32 s26, $0x1;
	_ =	strace $0x80000046;
	[dreg:$0x1] =	wrdreg $0xFFFFFFFF  }
0xaa: {  	s28 =	simm.s32 $_size_execute0_lowered;
	s6 =	sadd.s32 s6, s7;
	[dreg:$0x0] =	wrdreg $0x0  }
0xab: {  	s7 =	sshll.u32 s28, $0x1;
	[dreg:$0x2] =	wrdreg s6  }
0xac: {  	[dreg:$0x3] =	wrdreg s7  }
0xad: {  	[dreg:$0x4] =	wrdreg $0xC0  }
0xae: {  	_ =	task [dreg:s10], $0x5FFFF  }
0xaf: {  	[dreg:$0x1] =	wrdreg $0xFFFFFFFF  }
0xb0: {  	[dreg:$0x0] =	wrdreg $0x60  }
0xb1: {  	[dreg:$0x2] =	wrdreg s2  }
0xb2: {  	[dreg:$0x3] =	wrdreg s19  }
0xb3: {  	[dreg:$0x4] =	wrdreg s4  }
0xb4: {  	[dreg:$0x5] =	wrdreg s5  }
0xb5: {  	[dreg:$0x6] =	wrdreg $0x9  }
0xb6: {  	_ =	task.clear_ibuf [dreg:s10], $0x7FFFF;
	_ =	strace $0x90000046  }
0xb7: {  	s29 =	simm.s32 $0x9;
	_ =	strace $0x80000048  }
0xb8: {  	_ =	swait.ge [sflag:s29], $0x1  }
0xb9: {  	[sflag:s29] =	ssyncadd.s32 $0xFFFFFFFF  }
0xba: {  	_ =	strace $0x90000048  }
0xbb: {  	_ =	sfence  }
0xbc: {  	s30 =	sld [smem:$0x0];
	_ =	sdelay $0x2  }
0xbd: {  	s31 =	sshll.u32 s1, $0xD;
	s1 =	sshrl.u32 s1, $0x2  }
0xbe: {  	s3 =	sand.u32 $0x4000, s31;
	s1 =	sadd.s32 s1, s30  }
0xbf: {  	s0 =	sor.u32 s3, s0;
	s1 =	sshll.u32 s1, $0x11  }
0xc0: {  	s0 =	sor.u32 s1, s0  }
0xc1: {  	s0 =	sadd.s32 $0x8F2B, s0  }
0xc2: {  	[sflag:s0] =	ssyncadd.remote.s32 $0x1  }
0xc3: {  	_ =	sfence.sel $0xFFFF  }
0xc4: {  	[dreg:$0x0] =	wrdreg $0xFFFFFFFF;
	(pc) =	sbr.abs _section_cstart, $3  }
0xc5: {  	[dreg:$0x1] =	wrdreg $0xFFFFFFFF  }
0xc6: {  	_ =	task.clear_ibuf [dreg:s10], $0x2FFFF;
	_ =	strace $0x9FFFFFFF  }
0xc7: {  	(tm) =	ssettm $0x7FFFFFFF  }
tec
execute0_lowered:
.L_overlay_start_1:
0x0: {  	(tag) =	ssettag $0x1  }
0x1: {  	s4 =	rddreg [dreg:$0x0]  }
0x2: {  	s5 =	rddreg [dreg:$0x1]  }
0x3: {  	s2 =	rddreg [dreg:$0x2]  }
0x4: {  	s6 =	rddreg [dreg:$0x3]  }
0x5: {  	s0 =	rddreg [dreg:$0x4]  }
0x6: {  	s7 =	srdreg.scid;
	s1 =	stileid.u32  }
0x7: {  	s3 =	simm.s32 $0x0;
	s12 =	simm.s32 $0x80;
	s13 =	simm.s32 $0x400  }
0x8: {  	s14 =	simm.s32 $0x0;
	s7 =	sand.u32 $0x1, s7;
	s8 =	sshll.u32 s1, $0x1  }
0x9: {  	[smem:$0x7FF] =	sst s3;
	s9 =	sshrl.u32 s1, $0x2;
	s8 =	sor.u32 s7, s8  }
0xa: {  	s7 =	ssub.s32 $0x2, s7;
	s9 =	smul.u32 $0x14000, s9;
	_ =	strace $0x80000047  }
0xb: {  	s10 =	sshll.u32 s8, $0x7;
	s11 =	sshrl.u32 s7, $0x1;
	s8 =	smul.u32 $0x500, s8  }
0xc: {  	s10 =	sand.u32 $0x380, s10;
	s7 =	ssub.s32 s7, s11;
	s11 =	simm.s32 $0x7800  }
0xd: {  	s9 =	sor.u32 s9, s10;
	s4 =	sadd.s32 s4, s8;
	s5 =	sadd.s32 s5, s8  }
0xe: {  	s7 =	smax.u32 s7, $0x1;
	s8 =	simm.s32 $0x1;
	s31 =	sshrl.u32 s9, $0x3  }
0xf: {  	v0 =	vimm.f32 $0.0e+00;
	s10 =	simm.s32 $0x5000;
	s9 =	simm.s32 $0x2800;
	s6 =	sadd.s32 s6, s31  }
.LBB2_1:
0x10: {  	[tilespmem:s3], [sflag:$0x1] =	stream.linear.gather [hbm4b:s4+s3], $0x2800, $0x38;
	[tilespmem:$0xA000] =	vst v63  }
0x11: {  	_ =	swait.ge [sflag:s8], $0x2800  }
0x12: {  	[sflag:s8] =	ssyncset.done $0x0  }
0x13: {  	[sflag:s8] =	ssyncadd.s32 $0xFFFFD800  }
0x14: {  	[tilespmem:s9], [sflag:$0x1] =	stream.linear.gather [hbm4b:s5+s3], $0x2800, $0x38;
	[tilespmem:$0xA000] =	vst v63  }
0x15: {  	_ =	swait.ge [sflag:s8], $0x2800  }
0x16: {  	[sflag:s8] =	ssyncset.done $0x0  }
0x17: {  	[sflag:s8] =	ssyncadd.s32 $0xFFFFD800  }
0x18: {  	[tilespmem:s10], [sflag:$0x1] =	stream.linear.gather [hbm4b:s2+s3], $0x2800, $0x38;
	[tilespmem:$0xA000] =	vst v63  }
0x19: {  	_ =	swait.ge [sflag:s8], $0x2800  }
0x1a: {  	[sflag:s8] =	ssyncset.done $0x0  }
0x1b: {  	s15 =	simm.s32 $0x0;
	[sflag:s8] =	ssyncadd.s32 $0xFFFFD800  }
.LBB2_2:
0x1c: {  	p0 =	sne.s32 s15, $0x9FC0  }
.Ltmp0:
0x1d: {  	_ = 	snop;
	(pc) =	sbr.rel @p0 .LBB2_2-.Ltmp0, $3  }
0x1e: {  	_ =	sdelay $0x1  }
0x1f: {  	s16 =	sshra.s32 s15, $0x2  }
0x20: {  	s15 =	sadd.s32 $0x40, s15;
	[tilespmem:s16+$0x7800] =	vst v0  }
0x21: {  	s16 =	simm.s32 $0x0;
	s15 =	simm.s32 $0x40  }
.LBB2_4:
0x22: {  	p0 =	sne.s32 s15, $0x9FC0;
	v1 =	vld [tilespmem:s16+$0x0];
	_ =	sdelay $0x5  }
0x23: {  	v2 =	vld [tilespmem:s16+$0x2800];
	_ =	sdelay $0x1  }
0x24: {  	v1 =	vld.idx.msk [tilespmem:v1+s10+$0x0], $0xffff;
	_ =	sdelay $0x1  }
.Ltmp1:
0x25: {  	(pc) =	sbr.rel @p0 .LBB2_4-.Ltmp1, $2  }
0x26: {  	_ =	sdelay $0x2  }
0x27: {  	s16 =	sshra.s32 s15, $0x2;
	s15 =	sadd.s32 $0x40, s15;
	[tilespmem:v2+s11+$0x0] =	vst.idx.add.f32.msk $0xffff, v1  }
0x28: {  	v1 =	vld [tilespmem:s16+$0x0];
	_ =	sdelay $0x4  }
0x29: {  	v2 =	vld [tilespmem:s16+$0x2800];
	_ =	sdelay $0x2  }
0x2a: {  	v1 =	vld.idx.msk [tilespmem:v1+s10+$0x0], $0xffff;
	_ =	sdelay $0x2  }
0x2b: {  	s14 =	sadd.s32 $0x1, s14  }
0x2c: {  	p0 =	sne.s32 s14, s7  }
.Ltmp2:
0x2d: {  	[tilespmem:v2+s11+$0x0] =	vst.idx.add.f32.msk $0xffff, v1;
	(pc) =	sbr.rel @p0 .LBB2_1-.Ltmp2, $4  }
0x2e: {  	[hbm4b:s6+s12] =	stream.strided.scatter [tilespmem:s11], [sflag:$0x1], $0x2800, s13, s12, $0x38;
	[tilespmem:$0xA000] =	vst v63  }
0x2f: {  	_ =	swait.ge [sflag:s8], $0x2800  }
0x30: {  	[sflag:s8] =	ssyncset.done $0x0  }
0x31: {  	[sflag:s8] =	ssyncadd.s32 $0xFFFFD800  }
0x32: {  	_ =	sfence.sel $0x180000  }
0x33: {  	[bflag:$0x0] =	sbarrier.arrive $0xFFFF  }
0x34: {  	p0 =	sne.s32 s1, $0x0;
	_ =	strace $0x90000047  }
0x35: {  	s0 =	sadd.s32 @!p0 $0x100000, s0;
	[bflag:$0x2] =	sbarrier.arrive $0xFFFF  }
0x36: {  	[sflag:s0] =	ssyncadd.tile.s32 @!p0 $0x1;
	_ =	shalt  }
.Lfunc_end2:
_tile_overlayer_lowered:
.L_overlay_start_2:
0x37: {  	(tag) =	ssettag $0x2  }
0x38: {  	s0 =	rddreg [dreg:$0x0];
	s2 =	stileid.u32  }
0x39: {  	s1 =	rddreg [dreg:$0x1];
	p0 =	sne.s32 s2, $0x0  }
0x3a: {  	s3 =	rddreg [dreg:$0x2];
	[bflag:$0x3] =	sbarrier.arrive $0xFFFF;
	s2 =	simm.s32 @!p0 $0x1C01  }
0x3b: {  	[timem:s3], [sflag:s2] =	dma.local @!p0 [hbm:s0], s1  }
0x3c: {  	s0 =	simm.s32 @!p0 $0x1  }
0x3d: {  	_ =	swait.ge @!p0 [sflag:s0], s1  }
0x3e: {  	s1 =	ssub.s32 @!p0 $0x0, s1;
	[sflag:s0] =	ssyncset.done @!p0 $0x0  }
0x3f: {  	[sflag:s0] =	ssyncadd.s32 @!p0 s1  }
0x40: {  	[bflag:$0x3] =	sbarrier.arrive $0xFFFF  }
0x41: {  	_ =	shalt  }

</sc_bundles>
